<compile_context>
chip_gen: v7x
topology: tpu7x:2x2x1
jax: 0.10.2.dev20260603
libtpu: 0.0.44.dev20260713+nightly
codegen_flags: <defaults>
</compile_context>

<pallas_src>
import functools

import jax
import jax.numpy as jnp
import numpy as np
from jax.experimental import pallas as pl
from jax.experimental.pallas import tpu as pltpu

_EPSILON = float(np.finfo(np.float32).tiny)
_K = 2
_TAU = 0.1


@functools.cache
def _gumbel_noise_t(rows: int, ens: int):
    g = jax.random.gumbel(jax.random.key(1), (rows, ens), dtype=jnp.float32)
    return g.T.copy()


def _softmax_t(y):
    m = jnp.max(y, axis=0, keepdims=True)
    e = jnp.exp(y - m)
    return e / jnp.sum(e, axis=0, keepdims=True)


def _body(x_ref, g_ref, mask_ref, khot_ref):
    x = x_ref[...].T + g_ref[...]
    ens = x.shape[0]
    a1 = _softmax_t(x / _TAU)
    x = x + jnp.log(jnp.maximum(1.0 - a1, _EPSILON))
    a2 = _softmax_t(x / _TAU)
    khot = a1 + a2

    idx = jax.lax.broadcasted_iota(jnp.int32, khot.shape, 0)
    m1 = jnp.max(khot, axis=0, keepdims=True)
    i1 = jnp.min(jnp.where(khot == m1, idx, ens), axis=0, keepdims=True)
    khot2 = jnp.where(idx == i1, -jnp.inf, khot)
    m2 = jnp.max(khot2, axis=0, keepdims=True)
    i2 = jnp.min(jnp.where(khot2 == m2, idx, ens), axis=0, keepdims=True)
    hard = ((idx == i1) | (idx == i2)).astype(jnp.float32)

    khot_ref[...] = khot.T
    mask_ref[...] = ((hard - khot) + khot).T


def kernel(scores):
    bsz, nmax, ens = scores.shape
    rows = bsz * nmax
    flat = scores.reshape(rows, ens)
    g = _gumbel_noise_t(rows, ens)

    blk = 2048 if rows % 2048 == 0 else rows
    spec = pl.BlockSpec((blk, ens), lambda i: (i, 0))
    spec_t = pl.BlockSpec((ens, blk), lambda i: (0, i))
    mask_flat, khot = pl.pallas_call(
        _body,
        grid=(rows // blk,),
        in_specs=[spec, spec_t],
        out_specs=[spec, spec],
        out_shape=[
            jax.ShapeDtypeStruct((rows, ens), jnp.float32),
            jax.ShapeDtypeStruct((rows, ens), jnp.float32),
        ],
        compiler_params=pltpu.CompilerParams(
            dimension_semantics=("parallel",),
        ),
    )(flat, g)
    return mask_flat.reshape(bsz, nmax, ens), khot

# --- scband reference (transcript-rebuilt; emitter-appended) ---
"""Pipeline reference for scband-gumbel-sampler-19791209300207 (READ-ONLY COPY).

The authoritative reference and input builder live on the scoring server;
editing this copy changes nothing except your own understanding.
"""

import jax, jax.numpy as jnp
import numpy as np

EPSILON = float(np.finfo(np.float32).tiny)
K = 2
TAU = 0.1


def setup_inputs(seed: int = 0) -> dict:
    key = jax.random.key(seed)
    scores = jax.random.normal(key, (32, 8192, 64), dtype=jnp.float32)
    return {"scores": scores}


def reference(scores):
    bsz, Nmax, ensemble = scores.shape
    flat_scores = scores.reshape(bsz * Nmax, ensemble)
    local_k = min(K, ensemble)
    # Gumbel(0, 1) noise (fixed key for determinism; constant w.r.t. params)
    g = jax.random.gumbel(jax.random.key(1), flat_scores.shape, dtype=flat_scores.dtype)
    flat_scores = flat_scores + g
    khot = jnp.zeros_like(flat_scores)
    onehot_approx = jnp.zeros_like(flat_scores)
    for _ in range(local_k):
        khot_mask = jnp.maximum(1.0 - onehot_approx, EPSILON)
        flat_scores = flat_scores + jnp.log(khot_mask)
        onehot_approx = jax.nn.softmax(flat_scores / TAU, axis=1)
        khot = khot + onehot_approx
    # hard=True: straight-through top-k one-hot mask
    val, ind = jax.lax.top_k(khot, local_k)
    rows = jnp.arange(khot.shape[0])[:, None]
    khot_hard = jnp.zeros_like(khot).at[rows, ind].set(1.0)
    res = khot_hard - jax.lax.stop_gradient(khot) + khot
    new_mask = res.reshape(bsz, Nmax, ensemble)
    return (new_mask, khot)

if __name__ == "__main__":
    import jax
    _d = setup_inputs()
    print(jax.jit(kernel)(*tuple(_d.values())))

</pallas_src>

<mosaic_0001>
module attributes {stable_mosaic.version = 14 : i64} {
  func.func @_body(%arg0: i32, %arg1: memref<2048x64xf32, #tpu.memory_space<vmem>>, %arg2: memref<64x2048xf32, #tpu.memory_space<vmem>>, %arg3: memref<2048x64xf32, #tpu.memory_space<vmem>>, %arg4: memref<2048x64xf32, #tpu.memory_space<vmem>>) attributes {dimension_semantics = [#tpu.dimension_semantics<parallel>], iteration_bounds = array<i64: 128>, scalar_prefetch = 0 : i64, scratch_operands = 0 : i64, tpu.core_type = #tpu.core_type<tc>, window_params = [{transform_indices = @transform_0, window_bounds = array<i64: 2048, 64>}, {transform_indices = @transform_1, window_bounds = array<i64: 64, 2048>}, {transform_indices = @transform_2, window_bounds = array<i64: 2048, 64>}, {transform_indices = @transform_3, window_bounds = array<i64: 2048, 64>}]} {
    %get3A = arith.constant 0 : index
    %get3A_0 = arith.constant 0 : index
    %get3A_1 = vector.load %arg1[%get3A, %get3A_0] : memref<2048x64xf32, #tpu.memory_space<vmem>>, vector<2048x64xf32>
    %transpose3A = tpu.transpose %get3A_1, [1, 0] : vector<2048x64xf32> -> vector<64x2048xf32>
    %get3A_2 = arith.constant 0 : index
    %get3A_3 = arith.constant 0 : index
    %get3A_4 = vector.load %arg2[%get3A_2, %get3A_3] : memref<64x2048xf32, #tpu.memory_space<vmem>>, vector<64x2048xf32>
    %add3A = arith.addf %transpose3A, %get3A_4 : vector<64x2048xf32>
    %div3A = arith.constant 1.000000e-01 : f32
    %div3A_5 = vector.broadcast %div3A : f32 to vector<64x2048xf32>
    %div3A_6 = arith.divf %add3A, %div3A_5 : vector<64x2048xf32>
    %reduce_max3A = arith.constant dense<0xFF800000> : vector<2048xf32>
    %reduce_max3A_7 = vector.multi_reduction <maximumf>, %div3A_6, %reduce_max3A [0] : vector<64x2048xf32> to vector<2048xf32>
    %broadcast_in_dim3A = vector.shape_cast %reduce_max3A_7 : vector<2048xf32> to vector<1x2048xf32>
    %sub3A = vector.broadcast %broadcast_in_dim3A : vector<1x2048xf32> to vector<64x2048xf32>
    %sub3A_8 = arith.subf %div3A_6, %sub3A : vector<64x2048xf32>
    %exp3A = math.exp %sub3A_8 : vector<64x2048xf32>
    %reduce_sum3A = arith.constant dense<0.000000e+00> : vector<2048xf32>
    %reduce_sum3A_9 = vector.multi_reduction <add>, %exp3A, %reduce_sum3A [0] : vector<64x2048xf32> to vector<2048xf32>
    %broadcast_in_dim3A_10 = vector.shape_cast %reduce_sum3A_9 : vector<2048xf32> to vector<1x2048xf32>
    %div3A_11 = vector.broadcast %broadcast_in_dim3A_10 : vector<1x2048xf32> to vector<64x2048xf32>
    %div3A_12 = arith.divf %exp3A, %div3A_11 : vector<64x2048xf32>
    %sub3A_13 = arith.constant 1.000000e+00 : f32
    %sub3A_14 = vector.broadcast %sub3A_13 : f32 to vector<64x2048xf32>
    %sub3A_15 = arith.subf %sub3A_14, %div3A_12 : vector<64x2048xf32>
    %max3A = arith.constant 1.17549435E-38 : f32
    %max3A_16 = vector.broadcast %max3A : f32 to vector<64x2048xf32>
    %max3A_17 = arith.maximumf %sub3A_15, %max3A_16 : vector<64x2048xf32>
    %log3A = math.log %max3A_17 : vector<64x2048xf32>
    %add3A_18 = arith.addf %add3A, %log3A : vector<64x2048xf32>
    %div3A_19 = arith.constant 1.000000e-01 : f32
    %div3A_20 = vector.broadcast %div3A_19 : f32 to vector<64x2048xf32>
    %div3A_21 = arith.divf %add3A_18, %div3A_20 : vector<64x2048xf32>
    %reduce_max3A_22 = arith.constant dense<0xFF800000> : vector<2048xf32>
    %reduce_max3A_23 = vector.multi_reduction <maximumf>, %div3A_21, %reduce_max3A_22 [0] : vector<64x2048xf32> to vector<2048xf32>
    %broadcast_in_dim3A_24 = vector.shape_cast %reduce_max3A_23 : vector<2048xf32> to vector<1x2048xf32>
    %sub3A_25 = vector.broadcast %broadcast_in_dim3A_24 : vector<1x2048xf32> to vector<64x2048xf32>
    %sub3A_26 = arith.subf %div3A_21, %sub3A_25 : vector<64x2048xf32>
    %exp3A_27 = math.exp %sub3A_26 : vector<64x2048xf32>
    %reduce_sum3A_28 = arith.constant dense<0.000000e+00> : vector<2048xf32>
    %reduce_sum3A_29 = vector.multi_reduction <add>, %exp3A_27, %reduce_sum3A_28 [0] : vector<64x2048xf32> to vector<2048xf32>
    %broadcast_in_dim3A_30 = vector.shape_cast %reduce_sum3A_29 : vector<2048xf32> to vector<1x2048xf32>
    %div3A_31 = vector.broadcast %broadcast_in_dim3A_30 : vector<1x2048xf32> to vector<64x2048xf32>
    %div3A_32 = arith.divf %exp3A_27, %div3A_31 : vector<64x2048xf32>
    %add3A_33 = arith.addf %div3A_12, %div3A_32 : vector<64x2048xf32>
    %iota3A = tpu.iota {dimensions = array<i32: 0>} : vector<64x2048xi32>
    %reduce_max3A_34 = arith.constant dense<0xFF800000> : vector<2048xf32>
    %reduce_max3A_35 = vector.multi_reduction <maximumf>, %add3A_33, %reduce_max3A_34 [0] : vector<64x2048xf32> to vector<2048xf32>
    %broadcast_in_dim3A_36 = vector.shape_cast %reduce_max3A_35 : vector<2048xf32> to vector<1x2048xf32>
    %eq3A = vector.broadcast %broadcast_in_dim3A_36 : vector<1x2048xf32> to vector<64x2048xf32>
    %eq3A_37 = arith.cmpf oeq, %add3A_33, %eq3A : vector<64x2048xf32>
    %jit3A = arith.constant 64 : i32
    %broadcast_in_dim3A_38 = vector.broadcast %jit3A : i32 to vector<64x2048xi32>
    %select_n3A = arith.select %eq3A_37, %iota3A, %broadcast_in_dim3A_38 : vector<64x2048xi1>, vector<64x2048xi32>
    %reduce_min3A = arith.constant dense<2147483647> : vector<2048xi32>
    %reduce_min3A_39 = vector.multi_reduction <minsi>, %select_n3A, %reduce_min3A [0] : vector<64x2048xi32> to vector<2048xi32>
    %broadcast_in_dim3A_40 = vector.shape_cast %reduce_min3A_39 : vector<2048xi32> to vector<1x2048xi32>
    %eq3A_41 = vector.broadcast %broadcast_in_dim3A_40 : vector<1x2048xi32> to vector<64x2048xi32>
    %eq3A_42 = arith.cmpi eq, %iota3A, %eq3A_41 : vector<64x2048xi32>
    %jit3A_43 = arith.constant 0xFF800000 : f32
    %broadcast_in_dim3A_44 = vector.broadcast %jit3A_43 : f32 to vector<64x2048xf32>
    %select_n3A_45 = arith.select %eq3A_42, %broadcast_in_dim3A_44, %add3A_33 : vector<64x2048xi1>, vector<64x2048xf32>
    %reduce_max3A_46 = arith.constant dense<0xFF800000> : vector<2048xf32>
    %reduce_max3A_47 = vector.multi_reduction <maximumf>, %select_n3A_45, %reduce_max3A_46 [0] : vector<64x2048xf32> to vector<2048xf32>
    %broadcast_in_dim3A_48 = vector.shape_cast %reduce_max3A_47 : vector<2048xf32> to vector<1x2048xf32>
    %eq3A_49 = vector.broadcast %broadcast_in_dim3A_48 : vector<1x2048xf32> to vector<64x2048xf32>
    %eq3A_50 = arith.cmpf oeq, %select_n3A_45, %eq3A_49 : vector<64x2048xf32>
    %jit3A_51 = arith.constant 64 : i32
    %broadcast_in_dim3A_52 = vector.broadcast %jit3A_51 : i32 to vector<64x2048xi32>
    %select_n3A_53 = arith.select %eq3A_50, %iota3A, %broadcast_in_dim3A_52 : vector<64x2048xi1>, vector<64x2048xi32>
    %reduce_min3A_54 = arith.constant dense<2147483647> : vector<2048xi32>
    %reduce_min3A_55 = vector.multi_reduction <minsi>, %select_n3A_53, %reduce_min3A_54 [0] : vector<64x2048xi32> to vector<2048xi32>
    %broadcast_in_dim3A_56 = vector.shape_cast %reduce_min3A_55 : vector<2048xi32> to vector<1x2048xi32>
    %eq3A_57 = vector.broadcast %broadcast_in_dim3A_40 : vector<1x2048xi32> to vector<64x2048xi32>
    %eq3A_58 = arith.cmpi eq, %iota3A, %eq3A_57 : vector<64x2048xi32>
    %eq3A_59 = vector.broadcast %broadcast_in_dim3A_56 : vector<1x2048xi32> to vector<64x2048xi32>
    %eq3A_60 = arith.cmpi eq, %iota3A, %eq3A_59 : vector<64x2048xi32>
    %or3A = arith.ori %eq3A_58, %eq3A_60 : vector<64x2048xi1>
    %convert_element_type3A = arith.extui %or3A : vector<64x2048xi1> to vector<64x2048xi32>
    %convert_element_type3A_61 = arith.sitofp %convert_element_type3A : vector<64x2048xi32> to vector<64x2048xf32>
    %transpose3A_62 = tpu.transpose %add3A_33, [1, 0] : vector<64x2048xf32> -> vector<2048x64xf32>
    %swap3A = arith.constant 0 : index
    %swap3A_63 = arith.constant 0 : index
    %swap3A_64 = vector.load %arg4[%swap3A, %swap3A_63] : memref<2048x64xf32, #tpu.memory_space<vmem>>, vector<2048x64xf32>
    tpu.vector_store %arg4[%swap3A, %swap3A_63], %transpose3A_62 {strides = array<i32>} : memref<2048x64xf32, #tpu.memory_space<vmem>>, vector<2048x64xf32>,
    %sub3A_65 = arith.subf %convert_element_type3A_61, %add3A_33 : vector<64x2048xf32>
    %add3A_66 = arith.addf %sub3A_65, %add3A_33 : vector<64x2048xf32>
    %transpose3A_67 = tpu.transpose %add3A_66, [1, 0] : vector<64x2048xf32> -> vector<2048x64xf32>
    %swap3A_68 = arith.constant 0 : index
    %swap3A_69 = arith.constant 0 : index
    %swap3A_70 = vector.load %arg3[%swap3A_68, %swap3A_69] : memref<2048x64xf32, #tpu.memory_space<vmem>>, vector<2048x64xf32>
    tpu.vector_store %arg3[%swap3A_68, %swap3A_69], %transpose3A_67 {strides = array<i32>} : memref<2048x64xf32, #tpu.memory_space<vmem>>, vector<2048x64xf32>,
    return
  }
  func.func @transform_0(%arg0: i32) -> (i32, i32) {
    %c0_i32 = arith.constant 0 : i32
    %c0_i32_0 = arith.constant 0 : i32
    return %arg0, %c0_i32 : i32, i32
  }
  func.func @transform_1(%arg0: i32) -> (i32, i32) {
    %c0_i32 = arith.constant 0 : i32
    %c0_i32_0 = arith.constant 0 : i32
    return %c0_i32, %arg0 : i32, i32
  }
  func.func @transform_2(%arg0: i32) -> (i32, i32) {
    %c0_i32 = arith.constant 0 : i32
    %c0_i32_0 = arith.constant 0 : i32
    return %arg0, %c0_i32 : i32, i32
  }
  func.func @transform_3(%arg0: i32) -> (i32, i32) {
    %c0_i32 = arith.constant 0 : i32
    %c0_i32_0 = arith.constant 0 : i32
    return %arg0, %c0_i32 : i32, i32
  }
}

</mosaic_0001>

<sc_bundles>
// kernel: sparse-core-data-format-call.cloned.1.call-start
scs
called_computation_lowered:
.L_overlay_start_0:
0x0: {  	s2 =	sld [smem:$0x3FD9]  }
0x1: {  	s3 =	sld [smem:$0x3FFE];
	_ =	sdelay $0x1  }
0x2: {  	s1 =	srdreg.scid  }
0x3: {  	s0 =	sand.u32 $0x1, s1  }
0x4: {  	s15 =	sshll.u32 s0, $0xA;
	s2 =	sadd.s32 s3, s2  }
0x5: {  	s2 =	sadd.s32 s2, s15  }
0x6: {  	[smem:$0x3FC7] =	sst s2  }
0x7: {  	_ = 	snop  }
0x8: {  	s2 =	sld [smem:$0x3FD0];
	_ =	sdelay $0x2  }
0x9: {  	s16 =	simm.s32 $0xA;
	s4 =	simm.s32 $0x10  }
0xa: {  	[smem:s4], [sflag:s16] =	dma.local [hbm:s2], $0x1  }
0xb: {  	_ =	swait.eq [sflag:s16], $0x1  }
0xc: {  	[sflag:s16] =	ssyncset.done $0x0  }
0xd: {  	[sflag:s16] =	ssyncadd.s32 $0xFFFFFFFF  }
0xe: {  	s17 =	sld [smem:$0x10];
	(tm) =	ssettm $0x1  }
0xf: {  	s18 =	sld [smem:$0x3FFB];
	_ =	sdelay $0x3  }
0x10: {  	_ =	strace s18  }
0x11: {  	s3 =	sld [smem:$0x3FFC];
	_ =	sdelay $0x3  }
0x12: {  	_ =	strace s3  }
0x13: {  	s3 =	sld [smem:$0x3FFD];
	_ =	sdelay $0x3  }
0x14: {  	_ =	strace s3  }
0x15: {  	_ =	strace $0x8FFFFFFF  }
0x16: {  	s19 =	sld [smem:$0x3FDB];
	_ =	sdelay $0x1  }
0x17: {  	s20 =	simm.s32 $_scs_section_size  }
0x18: {  	s5 =	simm.s32 $_size__tile_overlayer_lowered;
	s6 =	simm.s32 $_tile_overlayer_lowered  }
0x19: {  	s23 =	simm.s32 $0x1BFF;
	s22 =	sshll.u32 s6, $0x1;
	s3 =	sadd.s32 s20, s19  }
0x1a: {  	s7 =	simm.s32 $0x0;
	s21 =	sshll.u32 s5, $0x1;
	s5 =	sadd.s32 s22, s3  }
0x1b: {  	[timem:s7], [sflag:s23] =	dma.local [hbm:s5], s21  }
0x1c: {  	_ =	swait.ge [sflag:s23], s21  }
0x1d: {  	s4 =	ssub.s32 $0x0, s21;
	[sflag:s23] =	ssyncset.done $0x0  }
0x1e: {  	[sflag:s23] =	ssyncadd.s32 s4;
	_ =	sdelay $0x1  }
0x1f: {  	s24 =	simm.s32 $0x1B8B  }
0x20: {  	_ =	swait.ge [sflag:s24], $0x1  }
0x21: {  	[sflag:s24] =	ssyncset.done $0x0  }
0x22: {  	s26 =	simm.s32 $0x1B8E;
	s25 =	sld [smem:$0x3FFE];
	[sflag:s24] =	ssyncadd.s32 $0xFFFFFFFF  }
0x23: {  	s27 =	simm.s32 $execute0_lowered;
	[smem:$0x3FD2] =	sst s26  }
0x24: {  	s5 =	sshll.u32 s27, $0x1;
	_ =	strace $0x80000046;
	[dreg:$0x1] =	wrdreg $0xFFFFFFFF  }
0x25: {  	s28 =	simm.s32 $_size_execute0_lowered;
	s3 =	sadd.s32 s3, s5;
	[dreg:$0x0] =	wrdreg $0x0  }
0x26: {  	s5 =	sshll.u32 s28, $0x1;
	[dreg:$0x2] =	wrdreg s3  }
0x27: {  	[dreg:$0x3] =	wrdreg s5  }
0x28: {  	[dreg:$0x4] =	wrdreg $0xC0  }
0x29: {  	_ =	task [dreg:s7], $0x5FFFF  }
0x2a: {  	[dreg:$0x1] =	wrdreg $0xFFFFFFFF  }
0x2b: {  	[dreg:$0x0] =	wrdreg $0x60  }
0x2c: {  	[dreg:$0x2] =	wrdreg s25  }
0x2d: {  	[dreg:$0x3] =	wrdreg s17  }
0x2e: {  	[dreg:$0x4] =	wrdreg $0x9  }
0x2f: {  	_ =	task.clear_ibuf [dreg:s7], $0x5FFFF;
	_ =	strace $0x90000046  }
0x30: {  	s29 =	simm.s32 $0x9;
	_ =	strace $0x80000048  }
0x31: {  	_ =	swait.ge [sflag:s29], $0x1  }
0x32: {  	[sflag:s29] =	ssyncadd.s32 $0xFFFFFFFF  }
0x33: {  	_ =	strace $0x90000048  }
0x34: {  	_ =	sfence  }
0x35: {  	s30 =	sld [smem:$0x0];
	_ =	sdelay $0x2  }
0x36: {  	s31 =	sshll.u32 s1, $0xD;
	s1 =	sshrl.u32 s1, $0x2  }
0x37: {  	s3 =	sand.u32 $0x4000, s31;
	s1 =	sadd.s32 s1, s30  }
0x38: {  	s0 =	sor.u32 s3, s0;
	s1 =	sshll.u32 s1, $0x11  }
0x39: {  	s0 =	sor.u32 s1, s0  }
0x3a: {  	s0 =	sadd.s32 $0x8F2B, s0  }
0x3b: {  	[sflag:s0] =	ssyncadd.remote.s32 $0x1  }
0x3c: {  	_ =	sfence.sel $0xFFFF  }
0x3d: {  	[dreg:$0x0] =	wrdreg $0xFFFFFFFF;
	(pc) =	sbr.abs _section_cstart, $3  }
0x3e: {  	[dreg:$0x1] =	wrdreg $0xFFFFFFFF  }
0x3f: {  	_ =	task.clear_ibuf [dreg:s7], $0x2FFFF;
	_ =	strace $0x9FFFFFFF  }
0x40: {  	(tm) =	ssettm $0x7FFFFFFF  }
0x41: {  	_ =	shalt  }
tec
execute0_lowered:
.L_overlay_start_1:
0x0: {  	(tag) =	ssettag $0x1  }
0x1: {  	s8 =	rddreg [dreg:$0x0]  }
0x2: {  	s2 =	rddreg [dreg:$0x1]  }
0x3: {  	s1 =	stileid.u32;
	s4 =	srdreg.scid  }
0x4: {  	s0 =	rddreg [dreg:$0x2];
	_ =	strace $0x80000047;
	s9 =	simm.s32 $0x1  }
0x5: {  	s31 =	simm.s32 $0x2;
	s14 =	simm.s32 $0x0;
	s15 =	simm.s32 $0x0  }
0x6: {  	s13 =	simm.s32 $0x0;
	s3 =	sshll.u32 s1, $0x1;
	s4 =	sshll.u32 s4, $0x7  }
0x7: {  	s4 =	sand.u32 $0x80, s4;
	s5 =	ssub.s32 $0x20, s3;
	s12 =	smov.u32 s3  }
0x8: {  	s6 =	sshrl.u32 s5, $0x5;
	s5 =	sand.u32 $0x1E, s5;
	s7 =	ssub.s32 $0x2000, s4  }
0x9: {  	p0 =	sne.s32 s5, $0x0;
	s30 =	sshrl.u32 s7, $0x7;
	s7 =	sshrl.u32 s7, $0x8  }
.Ltmp0:
0xa: {  	s9 =	simm.s32 @!p0 $0x0;
	s10 =	sand.u32 $0x1, s30;
	(pc) =	sbr.rel .LBB1_1-.Ltmp0, $4  }
0xb: {  	s5 =	simm.s32 $0x1;
	s6 =	sadd.s32 s9, s6;
	s7 =	sadd.s32 s7, s10  }
0xc: {  	s11 =	smov.u32 s4;
	[sflag:s5] =	ssyncpa.u1 $0x0;
	s6 =	smul.u32 s6, s7  }
0xd: {  	p0 =	por $0x0, $0x0;
	[sflag:s31] =	ssyncpa.u1 $0x0;
	s10 =	simm.s32 $0x10000  }
0xe: {  	s7 =	sadd.s32 $0x800800, s8;
	s8 =	sadd.s32 $0x820800, s8;
	s9 =	sadd.s32 $0x1, s6  }
.LBB1_7:
0xf: {  	s16 =	sadd.s32 $0x100, s11  }
0x10: {  	s14 =	sadd.s32 $0x20, s12;
	s18 =	smov.u32 s12;
	p2 =	sgt.s32 s16, $0x1FFF  }
0x11: {  	s18 =	smov.u32 @p2 s14  }
0x12: {  	s16 =	smov.u32 @p2 s4;
	p2 =	sgt.s32 s18, $0x1F  }
0x13: {  	s18 =	smov.u32 @p2 s3;
	p2 =	sne.s32 s13, s9  }
.Ltmp1:
0x14: {  	p1 =	slt.u32 s13, $0x2;
	(pc) =	sbr.rel @!p2 .LBB1_8-.Ltmp1, $4  }
0x15: {  	s17 =	simm.s32 @!p1 $0x2  }
0x16: {  	s15 =	smov.u32 s12;
	p0 =	por !p0, !p0;
	_ =	swait.ge @!p1 [sflag:s17], $0x4000  }
0x17: {  	s14 =	smov.u32 s11;
	[sflag:s17] =	ssyncset.done @!p1 $0x0;
	s11 =	smov.u32 s16  }
0x18: {  	s13 =	sadd.s32 $0x1, s13;
	[sflag:s17] =	ssyncadd.s32 @!p1 $0xFFFFC000;
	s12 =	smov.u32 s18  }
.LBB1_1:
0x19: {  	p1 =	sge.u32 s13, s6  }
0x1a: {  	s16 =	sxor.u32 @!p1 $0xFFFFFFFF, s13;
	s17 =	sshll.u32 @!p1 s12, $0x11  }
0x1b: {  	s18 =	sshll.u32 @!p1 s11, $0x4;
	s20 =	simm.s32 @!p1 $0x40;
	s21 =	simm.s32 @!p1 $0x80  }
0x1c: {  	s16 =	sshll.u32 @!p1 s16, $0xE;
	s18 =	sand.u32 @!p1 $0x1FFF0, s18;
	s19 =	sadd.s32 @!p1 s7, s17  }
0x1d: {  	s17 =	sadd.s32 @!p1 s17, s8;
	s16 =	sand.u32 @!p1 $0x4000, s16;
	s19 =	sadd.s32 @!p1 s18, s19  }
0x1e: {  	[tilespmem:s16], [sflag:$0x1] =	stream.strided.gather @!p1 [hbm4b:s19+s20], $0x2000, s21, s20, $0x38;
	[tilespmem:$0x10100] =	vst v63  }
0x1f: {  	s31 =	sadd.s32 $0xFFFFFFFF, s13;
	s17 =	sadd.s32 @!p1 s18, s17;
	s16 =	sor.u32 @!p1 $0x2000, s16  }
0x20: {  	[tilespmem:s16], [sflag:$0x1] =	stream.strided.gather @!p1 [hbm4b:s17+s20], $0x2000, s21, s20, $0x38;
	[tilespmem:$0x10100] =	vst v63  }
0x21: {  	p1 =	sge.u32 s31, s6  }
.Ltmp2:
0x22: {  	_ = 	snop;
	(pc) =	sbr.rel @p1 .LBB1_7-.Ltmp2, $1  }
0x23: {  	_ =	sdelay $0x3  }
0x24: {  	s16 =	simm.s32 $0x1;
	s18 =	sand.u32 $0x1, s13  }
0x25: {  	_ =	swait.ge [sflag:s5], $0x4000;
	s16 =	simm.s32 @!p0 $0x0;
	s18 =	smul.u32 $0x10200, s18  }
0x26: {  	p2 =	por $0x1, $0x1;
	[sflag:s5] =	ssyncset.done $0x0;
	s17 =	smul.u32 $0x10200, s16  }
0x27: {  	s19 =	sshll.u32 s16, $0x10;
	[sflag:s5] =	ssyncadd.s32 $0xFFFFC000;
	s30 =	sshrl.u32 s18, $0x2  }
0x28: {  	s31 =	sshrl.u32 s19, $0x2;
	s19 =	simm.s32 $0x0;
	s17 =	sshrl.u32 s17, $0x2  }
0x29: {  	s16 =	sor.u32 $0x8000, s30;
	s18 =	sadd.s32 $0x20, s31;
	s17 =	sor.u32 $0x8000, s17  }
.LBB1_3:
0x2a: {  	s20 =	sshll.u32 s19, $0xD  }
0x2b: {  	s20 =	sand.u32 $0x3FFFE000, s20  }
0x2c: {  	s22 =	sadd.s32 s20, s18  }
0x2d: {  	s31 =	smul.u32 $0x8100, s19;
	v3 =	vld [tilespmem:s22+$0x10]  }
0x2e: {  	v1 =	vld [tilespmem:s22+$0xFFFFFFF0]  }
0x2f: {  	s19 =	sshra.s32 s31, $0x2;
	v0 =	vld [tilespmem:s22+$0x0]  }
0x30: {  	s19 =	sadd.s32 s19, s17;
	v2 =	vld [tilespmem:s22+$0xFFFFFFE0]  }
0x31: {  	s20 =	sadd.s32 $0x0, s19  }
0x32: {  	p1 =	por p2, p2;
	s21 =	simm.s32 $0x4;
	s22 =	sadd.s32 $0x40, s22;
	[tilespmem:s20+$0x1830 ss:$0x81] =	vst.msk $0xffff, v3  }
.LBB1_4:
0x33: {  	v3 =	vld [tilespmem:s22+$0x10];
	p2 =	sne.s32 s21, $0x1FC;
	[tilespmem:s20+$0x810 ss:$0x81] =	vst.msk $0xffff, v1;
	s23 =	smov.u32 s21;
	s21 =	sadd.s32 $0x4, s21  }
.Ltmp3:
0x34: {  	v1 =	vld [tilespmem:s22+$0xFFFFFFF0];
	[tilespmem:s20+$0x1020 ss:$0x81] =	vst.msk $0xffff, v0;
	(pc) =	sbr.rel @p2 .LBB1_4-.Ltmp3, $4  }
0x35: {  	v0 =	vld [tilespmem:s22+$0x0];
	[tilespmem:s20+$0x0 ss:$0x81] =	vst.msk $0xffff, v2  }
0x36: {  	s20 =	sshra.s32 s23, $0x2;
	v2 =	vld [tilespmem:s22+$0xFFFFFFE0]  }
0x37: {  	s20 =	sadd.s32 s20, s19  }
0x38: {  	s22 =	sadd.s32 $0x40, s22;
	[tilespmem:s20+$0x1830 ss:$0x81] =	vst.msk $0xffff, v3  }
.Ltmp4:
0x39: {  	(pc) =	sbr.rel @p1 .LBB1_3-.Ltmp4, $4  }
0x3a: {  	_ = 	snop  }
0x3b: {  	[tilespmem:s20+$0x810 ss:$0x81] =	vst.msk $0xffff, v1  }
0x3c: {  	[tilespmem:s20+$0x1020 ss:$0x81] =	vst.msk $0xffff, v0  }
0x3d: {  	s19 =	simm.s32 $0x1;
	p2 =	por $0x0, $0x0;
	[tilespmem:s20+$0x0 ss:$0x81] =	vst.msk $0xffff, v2  }
0x3e: {  	s17 =	sshll.u32 s14, $0x3;
	s18 =	sand.u32 $0x78, s14;
	s15 =	sshll.u32 s15, $0x10  }
.Ltmp5:
0x3f: {  	s30 =	sand.u32 $0xFC00, s14;
	s17 =	sand.u32 $0x1C00, s17;
	(pc) =	sbr.rel .LBB1_7-.Ltmp5, $4  }
0x40: {  	s31 =	sand.u32 $0x7, s14;
	s15 =	sadd.s32 s2, s15;
	s17 =	sor.u32 s18, s17  }
0x41: {  	s14 =	sshll.u32 s31, $0x12;
	s15 =	sadd.s32 s30, s15;
	s17 =	sshrl.u32 s17, $0x3  }
0x42: {  	s14 =	sor.u32 $0x400, s14;
	s15 =	sadd.s32 s17, s15  }
0x43: {  	[hbm4b:s15+s14] =	stream.strided.scatter [tilespmem:s16], [sflag:$0x2], $0x4000, s10, s14, $0x20;
	[tilespmem:$0x10100] =	vst v63  }
.LBB1_8:
0x44: {  	_ =	sfence.sel $0x180000  }
0x45: {  	s2 =	simm.s32 $0x1;
	[bflag:$0x0] =	sbarrier.arrive $0xFFFF  }
0x46: {  	s31 =	simm.s32 $0x2;
	[sflag:s2] =	ssyncpa.u1 $0x1  }
0x47: {  	[sflag:s31] =	ssyncpa.u1 $0x1  }
0x48: {  	p0 =	sne.s32 s1, $0x0;
	_ =	strace $0x90000047  }
0x49: {  	s0 =	sadd.s32 @!p0 $0x100000, s0;
	[bflag:$0x2] =	sbarrier.arrive $0xFFFF  }
0x4a: {  	[sflag:s0] =	ssyncadd.tile.s32 @!p0 $0x1;
	_ =	shalt  }
.Lfunc_end1:
_tile_overlayer_lowered:
.L_overlay_start_2:
0x4b: {  	(tag) =	ssettag $0x2  }
0x4c: {  	s0 =	rddreg [dreg:$0x0];
	s2 =	stileid.u32  }
0x4d: {  	s1 =	rddreg [dreg:$0x1];
	p0 =	sne.s32 s2, $0x0  }
0x4e: {  	s3 =	rddreg [dreg:$0x2];
	[bflag:$0x3] =	sbarrier.arrive $0xFFFF;
	s2 =	simm.s32 @!p0 $0x1C01  }
0x4f: {  	[timem:s3], [sflag:s2] =	dma.local @!p0 [hbm:s0], s1  }
0x50: {  	s0 =	simm.s32 @!p0 $0x1  }
0x51: {  	_ =	swait.ge @!p0 [sflag:s0], s1  }
0x52: {  	s1 =	ssub.s32 @!p0 $0x0, s1;
	[sflag:s0] =	ssyncset.done @!p0 $0x0  }
0x53: {  	[sflag:s0] =	ssyncadd.s32 @!p0 s1  }
0x54: {  	[bflag:$0x3] =	sbarrier.arrive $0xFFFF  }
0x55: {  	_ =	shalt  }

</sc_bundles>
